<compile_context>
chip_gen: v7x
topology: tpu7x:2x2x1
jax: 0.10.2.dev20260603
libtpu: 0.0.44.dev20260713+nightly
codegen_flags: <defaults>
</compile_context>

<pallas_src>
import functools

import jax
import jax.numpy as jnp
from jax import lax
from jax.experimental import pallas as pl
from jax.experimental.pallas import tpu as pltpu
from jax.experimental.pallas import tpu_sc as plsc

B, S, D, V = 4096, 200, 64, 1000000
BS = B * S
OTHER = 64


_COLS_BLK = 40960
_N_BLKS = -(-V // _COLS_BLK)
_VPAD = _N_BLKS * _COLS_BLK


def _rowsum_body(emb_ref, out_ref):
    out_ref[...] = jnp.sum(emb_ref[...], axis=0)


_rowsum_call = pl.pallas_call(
    _rowsum_body,
    grid=(_N_BLKS,),
    in_specs=[pl.BlockSpec((D, _COLS_BLK), lambda i: (0, i))],
    out_specs=pl.BlockSpec((_COLS_BLK,), lambda i: (i,)),
    out_shape=jax.ShapeDtypeStruct((_VPAD,), jnp.float32),
)


_NC, _NS = 2, 16
_NW = _NC * _NS
_N_PER = BS // _NW


_N_CHUNKS = 4
_CHUNK = _N_PER // _N_CHUNKS


def _sc_gather_body(sums_hbm, idx_hbm, out_hbm, shared, idx_v, vals_v, sems):
    cid = lax.axis_index("c")
    sid = lax.axis_index("s")
    wid = sid * _NC + cid
    base = wid * _N_PER
    seg = _VPAD // _NS
    pltpu.sync_copy(idx_hbm.at[pl.ds(base, _N_PER)], idx_v)
    pltpu.sync_copy(sums_hbm.at[pl.ds(sid * seg, seg)],
                    shared.at[pl.ds(sid * seg, seg)])
    plsc.subcore_barrier()
    copies = []
    for c in range(_N_CHUNKS):
        lo = c * _CHUNK
        copies.append(pltpu.async_copy(
            shared.at[idx_v.at[pl.ds(lo, _CHUNK)]],
            vals_v.at[pl.ds(lo, _CHUNK)], sems.at[c]))
    for c in range(_N_CHUNKS):
        lo = c * _CHUNK
        copies[c].wait()
        pltpu.sync_copy(vals_v.at[pl.ds(lo, _CHUNK)],
                        out_hbm.at[pl.ds(base + lo, _CHUNK)])


@functools.cache
def _sc_gather_call():
    return pl.kernel(
        _sc_gather_body,
        out_type=jax.ShapeDtypeStruct((BS,), jnp.float32),
        mesh=plsc.VectorSubcoreMesh(
            core_axis_name="c", subcore_axis_name="s", num_cores=_NC,
            num_subcores=_NS),
        scratch_types=[
            pltpu.VMEM_SHARED((_VPAD,), jnp.float32),
            pltpu.VMEM((_N_PER,), jnp.int32),
            pltpu.VMEM((_N_PER,), jnp.float32),
            pltpu.SemaphoreType.DMA((_N_CHUNKS,)),
        ],
    )


_B_BLK = 2048


def _tdot(a_t, w):
    return lax.dot_general(a_t, w, (((0,), (0,)), ((), ())),
                           preferred_element_type=jnp.float32)


def _mlp_pre_body(gwv_ref, gwov_ref, oth_ref, w1b_ref, w1c_ref, w1d_ref,
                  b1_ref, out_ref):
    out_ref[...] = (_tdot(gwv_ref[...], w1b_ref[...])
                    + _tdot(gwov_ref[...], w1c_ref[...])
                    + _tdot(oth_ref[...], w1d_ref[...]) + b1_ref[...])


def _mlp_body(g_ref, gwv_ref, rest_ref, w1a_ref, w2_ref, b2_ref, w3_ref,
              b3_ref, out_ref):
    emb_t = g_ref[...] * gwv_ref[...] * (1.0 / D)
    h = jnp.maximum(_tdot(emb_t, w1a_ref[...]) + rest_ref[...], 0.0)
    h = jnp.maximum(
        jnp.dot(h, w2_ref[...], preferred_element_type=jnp.float32) + b2_ref[...],
        0.0)
    out_ref[...] = (
        jnp.dot(h, w3_ref[...], preferred_element_type=jnp.float32) + b3_ref[...])


def _full(shape):
    return pl.BlockSpec(shape, lambda i: tuple(0 for _ in shape))


_mlp_pre_call = pl.pallas_call(
    _mlp_pre_body,
    grid=(B // _B_BLK,),
    in_specs=[
        pl.BlockSpec((S, _B_BLK), lambda i: (0, i)),
        pl.BlockSpec((S, _B_BLK), lambda i: (0, i)),
        pl.BlockSpec((OTHER, _B_BLK), lambda i: (0, i)),
        _full((S, 256)),
        _full((S, 256)),
        _full((OTHER, 256)),
        _full((1, 256)),
    ],
    out_specs=pl.BlockSpec((_B_BLK, 256), lambda i: (i, 0)),
    out_shape=jax.ShapeDtypeStruct((B, 256), jnp.float32),
)

_mlp_call = pl.pallas_call(
    _mlp_body,
    grid=(B // _B_BLK,),
    in_specs=[
        pl.BlockSpec((S, _B_BLK), lambda i: (0, i)),
        pl.BlockSpec((S, _B_BLK), lambda i: (0, i)),
        pl.BlockSpec((_B_BLK, 256), lambda i: (i, 0)),
        _full((S, 256)),
        _full((256, 128)),
        _full((1, 128)),
        _full((128, 128)),
        _full((1, 128)),
    ],
    out_specs=pl.BlockSpec((_B_BLK, 128), lambda i: (i, 0)),
    out_shape=jax.ShapeDtypeStruct((B, 128), jnp.float32),
)


def kernel(embedding, gene_with_go_idx, gene_with_go_value,
           gene_without_go_value, other_info, W1, b1, W2, b2, W3, b3):
    sums = _rowsum_call(embedding.T)
    idx_t = gene_with_go_idx.T.astype(jnp.int32)
    idx_flat = (idx_t.reshape(S // 8, 8, B // 128, 128)
                .transpose(0, 2, 1, 3).reshape(BS))
    gathered = _sc_gather_call()(sums, idx_flat)
    g_t = (gathered.reshape(S // 8, B // 128, 8, 128)
           .transpose(0, 2, 1, 3).reshape(S, B))
    w1a = W1[0:S]
    w1b = W1[S:2 * S]
    w1c = W1[2 * S:3 * S]
    w1d = W1[3 * S:]
    rest = _mlp_pre_call(
        gene_with_go_value.T, gene_without_go_value.T, other_info.T,
        w1b, w1c, w1d, b1.reshape(1, 256))
    return _mlp_call(
        g_t, gene_with_go_value.T, rest, w1a,
        W2, b2.reshape(1, 128), W3, b3.reshape(1, 128))

# --- scband reference (transcript-rebuilt; emitter-appended) ---
"""Pipeline reference for scband-my-model-66915590472008 (READ-ONLY COPY).

The authoritative reference and input builder live on the scoring server;
editing this copy changes nothing except your own understanding.
"""

import jax, jax.numpy as jnp
import numpy as np

B, S, D, V = 4096, 200, 64, 1000000
OTHER = 64
INPUT_DIM = S + S + S + OTHER  # 664
OUT_DIM = 128


def setup_inputs(seed: int = 0) -> dict:
    key = jax.random.key(seed)
    ks = jax.random.split(key, 12)
    embedding = jax.random.normal(ks[0], (V, D), dtype=jnp.float32) * 0.02
    gene_with_go_idx = jax.random.randint(ks[1], (B, S), 0, V, dtype=jnp.int64) if jax.config.jax_enable_x64 else jax.random.randint(ks[1], (B, S), 0, V, dtype=jnp.int32)
    gene_with_go_value = jax.random.uniform(ks[2], (B, S), dtype=jnp.float32)
    gene_without_go_value = jax.random.uniform(ks[3], (B, S), dtype=jnp.float32)
    other_info = jax.random.normal(ks[4], (B, OTHER), dtype=jnp.float32)
    W1 = jax.random.normal(ks[5], (INPUT_DIM, 256), dtype=jnp.float32) * (1.0 / np.sqrt(INPUT_DIM))
    b1 = jnp.zeros((256,), dtype=jnp.float32)
    W2 = jax.random.normal(ks[6], (256, 128), dtype=jnp.float32) * (1.0 / np.sqrt(256.0))
    b2 = jnp.zeros((128,), dtype=jnp.float32)
    W3 = jax.random.normal(ks[7], (128, OUT_DIM), dtype=jnp.float32) * (1.0 / np.sqrt(128.0))
    b3 = jnp.zeros((OUT_DIM,), dtype=jnp.float32)
    return {
        'embedding': embedding,
        'gene_with_go_idx': gene_with_go_idx,
        'gene_with_go_value': gene_with_go_value,
        'gene_without_go_value': gene_without_go_value,
        'other_info': other_info,
        'W1': W1, 'b1': b1, 'W2': W2, 'b2': b2, 'W3': W3, 'b3': b3,
    }


def reference(embedding, gene_with_go_idx, gene_with_go_value, gene_without_go_value, other_info, W1, b1, W2, b2, W3, b3):
    # gather: embedding[gene_with_go_idx] -> [B, S, D]
    emb = jnp.take(embedding, gene_with_go_idx, axis=0)
    # scale by per-gene value
    emb = emb * gene_with_go_value[..., None]
    # mean over dim=2 (embedding dim), matching torch mean(dim=2) on [B, S, D] -> [B, S]
    emb = emb.mean(axis=2)
    out = jnp.concatenate([emb, gene_with_go_value, gene_without_go_value, other_info], axis=1)
    out = jax.nn.relu(out @ W1 + b1)
    out = jax.nn.relu(out @ W2 + b2)
    out = out @ W3 + b3
    return out

if __name__ == "__main__":
    import jax
    _d = setup_inputs()
    print(jax.jit(kernel)(*tuple(_d.values())))

</pallas_src>

<mosaic_0001>
#map = affine_map<(d0, d1) -> (0)>
module attributes {stable_mosaic.version = 14 : i64} {
  func.func @_sc_gather_body(%arg0: i32, %arg1: i32, %arg2: memref<1024000xf32, #tpu.memory_space<hbm>>, %arg3: memref<819200xi32, #tpu.memory_space<hbm>>, %arg4: memref<819200xf32, #tpu.memory_space<hbm>>, %arg5: memref<1024000xf32, #tpu.memory_space<vmem_shared>>, %arg6: memref<25600xi32, #tpu.memory_space<vmem>>, %arg7: memref<25600xf32, #tpu.memory_space<vmem>>, %arg8: memref<4x!tpu.dma_semaphore, #tpu.memory_space<semaphore_mem>>) attributes {dimension_semantics = [#tpu.dimension_semantics<core_parallel>, #tpu.dimension_semantics<subcore_parallel>], iteration_bounds = array<i64: 2, 16>, scalar_prefetch = 0 : i64, scratch_operands = 4 : i64, tpu.core_type = #tpu.core_type<sc_vector_subcore>, window_params = [{transform_indices = #map}, {transform_indices = #map}, {transform_indices = #map}]} {
    %mul3A = arith.constant 2 : i32
    %mul3A_0 = arith.muli %arg1, %mul3A : i32
    %add3A = arith.addi %mul3A_0, %arg0 : i32
    %mul3A_1 = arith.constant 25600 : i32
    %mul3A_2 = arith.muli %add3A, %mul3A_1 : i32
    "tpu.region"() ({
      %run_scoped3A = tpu.sem_alloc : memref<!tpu.dma_semaphore, #tpu.memory_space<semaphore_mem>>
      %dma_start3A_85 = tpu.memref_slice %arg3[%mul3A_2] : memref<819200xi32, #tpu.memory_space<hbm>> -> memref<25600xi32, #tpu.memory_space<hbm>>
      %dma_start3A_86 = tpu.memref_slice %arg3[%mul3A_2] : memref<819200xi32, #tpu.memory_space<hbm>> -> memref<25600xi32, #tpu.memory_space<hbm>>
      tpu.enqueue_dma source(%dma_start3A_86 : memref<25600xi32, #tpu.memory_space<hbm>>) target(%arg6 : memref<25600xi32, #tpu.memory_space<vmem>>) target_semaphore(%run_scoped3A : memref<!tpu.dma_semaphore, #tpu.memory_space<semaphore_mem>>)
      %dma_wait3A_87 = tpu.memref_slice %arg3[%mul3A_2] : memref<819200xi32, #tpu.memory_space<hbm>> -> memref<25600xi32, #tpu.memory_space<hbm>>
      %dma_wait3A_88 = tpu.memref_slice %arg3[%mul3A_2] : memref<819200xi32, #tpu.memory_space<hbm>> -> memref<25600xi32, #tpu.memory_space<hbm>>
      tpu.wait_dma2 semaphore(%run_scoped3A : memref<!tpu.dma_semaphore, #tpu.memory_space<semaphore_mem>>) src(%dma_wait3A_88 : memref<25600xi32, #tpu.memory_space<hbm>>) dst(%arg6 : memref<25600xi32, #tpu.memory_space<vmem>>)
      tpu.yield
    }) : () -> ()
    %mul3A_3 = arith.constant 64000 : i32
    %mul3A_4 = arith.muli %arg1, %mul3A_3 : i32
    %mul3A_5 = arith.constant 64000 : i32
    %mul3A_6 = arith.muli %arg1, %mul3A_5 : i32
    "tpu.region"() ({
      %run_scoped3A = tpu.sem_alloc : memref<!tpu.dma_semaphore, #tpu.memory_space<semaphore_mem>>
      %dma_start3A_85 = tpu.memref_slice %arg5[%mul3A_6] : memref<1024000xf32, #tpu.memory_space<vmem_shared>> -> memref<64000xf32, #tpu.memory_space<vmem_shared>>
      %dma_start3A_86 = tpu.memref_slice %arg2[%mul3A_4] : memref<1024000xf32, #tpu.memory_space<hbm>> -> memref<64000xf32, #tpu.memory_space<hbm>>
      tpu.enqueue_dma source(%dma_start3A_86 : memref<64000xf32, #tpu.memory_space<hbm>>) target(%dma_start3A_85 : memref<64000xf32, #tpu.memory_space<vmem_shared>>) target_semaphore(%run_scoped3A : memref<!tpu.dma_semaphore, #tpu.memory_space<semaphore_mem>>)
      %dma_wait3A_87 = tpu.memref_slice %arg5[%mul3A_6] : memref<1024000xf32, #tpu.memory_space<vmem_shared>> -> memref<64000xf32, #tpu.memory_space<vmem_shared>>
      %dma_wait3A_88 = tpu.memref_slice %arg2[%mul3A_4] : memref<1024000xf32, #tpu.memory_space<hbm>> -> memref<64000xf32, #tpu.memory_space<hbm>>
      tpu.wait_dma2 semaphore(%run_scoped3A : memref<!tpu.dma_semaphore, #tpu.memory_space<semaphore_mem>>) src(%dma_wait3A_88 : memref<64000xf32, #tpu.memory_space<hbm>>) dst(%dma_wait3A_87 : memref<64000xf32, #tpu.memory_space<vmem_shared>>)
      tpu.yield
    }) : () -> ()
    %barrier3A = arith.constant 0 : index
    tpu.barrier barrier_id(%barrier3A)
    %dma_start3A = arith.constant 0 : i32
    %dma_start3A_7 = arith.constant 0 : i32
    %dma_start3A_8 = tpu.memref_slice %arg7[%dma_start3A_7] : memref<25600xf32, #tpu.memory_space<vmem>> -> memref<6400xf32, #tpu.memory_space<vmem>>
    %dma_start3A_9 = arith.constant 0 : i32
    %dma_start3A_10 = tpu.memref_slice %arg6[%dma_start3A_9] : memref<25600xi32, #tpu.memory_space<vmem>> -> memref<6400xi32, #tpu.memory_space<vmem>>
    %dma_start3A_11 = arith.constant 0 : i32
    %dma_start3A_12 = tpu.memref_slice %arg5[%dma_start3A_11] : memref<1024000xf32, #tpu.memory_space<vmem_shared>> -> memref<1024000xf32, #tpu.memory_space<vmem_shared>>
    %dma_start3A_13 = tpu.memref_slice %arg8[%dma_start3A] : memref<4x!tpu.dma_semaphore, #tpu.memory_space<semaphore_mem>> -> memref<1x!tpu.dma_semaphore, #tpu.memory_space<semaphore_mem>>
    %dma_start3A_14 = tpu.memref_squeeze %dma_start3A_13 : memref<1x!tpu.dma_semaphore, #tpu.memory_space<semaphore_mem>> -> memref<!tpu.dma_semaphore, #tpu.memory_space<semaphore_mem>>
    tpu.enqueue_indirect_dma source(%dma_start3A_12 : memref<1024000xf32, #tpu.memory_space<vmem_shared>>) target(%dma_start3A_8 : memref<6400xf32, #tpu.memory_space<vmem>>) offsets(%dma_start3A_10 : memref<6400xi32, #tpu.memory_space<vmem>>) semaphore(%dma_start3A_14 : memref<!tpu.dma_semaphore, #tpu.memory_space<semaphore_mem>>)
    %dma_start3A_15 = arith.constant 1 : i32
    %dma_start3A_16 = arith.constant 6400 : i32
    %dma_start3A_17 = tpu.memref_slice %arg7[%dma_start3A_16] : memref<25600xf32, #tpu.memory_space<vmem>> -> memref<6400xf32, #tpu.memory_space<vmem>>
    %dma_start3A_18 = arith.constant 6400 : i32
    %dma_start3A_19 = tpu.memref_slice %arg6[%dma_start3A_18] : memref<25600xi32, #tpu.memory_space<vmem>> -> memref<6400xi32, #tpu.memory_space<vmem>>
    %dma_start3A_20 = arith.constant 0 : i32
    %dma_start3A_21 = tpu.memref_slice %arg5[%dma_start3A_20] : memref<1024000xf32, #tpu.memory_space<vmem_shared>> -> memref<1024000xf32, #tpu.memory_space<vmem_shared>>
    %dma_start3A_22 = tpu.memref_slice %arg8[%dma_start3A_15] : memref<4x!tpu.dma_semaphore, #tpu.memory_space<semaphore_mem>> -> memref<1x!tpu.dma_semaphore, #tpu.memory_space<semaphore_mem>>
    %dma_start3A_23 = tpu.memref_squeeze %dma_start3A_22 : memref<1x!tpu.dma_semaphore, #tpu.memory_space<semaphore_mem>> -> memref<!tpu.dma_semaphore, #tpu.memory_space<semaphore_mem>>
    tpu.enqueue_indirect_dma source(%dma_start3A_21 : memref<1024000xf32, #tpu.memory_space<vmem_shared>>) target(%dma_start3A_17 : memref<6400xf32, #tpu.memory_space<vmem>>) offsets(%dma_start3A_19 : memref<6400xi32, #tpu.memory_space<vmem>>) semaphore(%dma_start3A_23 : memref<!tpu.dma_semaphore, #tpu.memory_space<semaphore_mem>>)
    %dma_start3A_24 = arith.constant 2 : i32
    %dma_start3A_25 = arith.constant 12800 : i32
    %dma_start3A_26 = tpu.memref_slice %arg7[%dma_start3A_25] : memref<25600xf32, #tpu.memory_space<vmem>> -> memref<6400xf32, #tpu.memory_space<vmem>>
    %dma_start3A_27 = arith.constant 12800 : i32
    %dma_start3A_28 = tpu.memref_slice %arg6[%dma_start3A_27] : memref<25600xi32, #tpu.memory_space<vmem>> -> memref<6400xi32, #tpu.memory_space<vmem>>
    %dma_start3A_29 = arith.constant 0 : i32
    %dma_start3A_30 = tpu.memref_slice %arg5[%dma_start3A_29] : memref<1024000xf32, #tpu.memory_space<vmem_shared>> -> memref<1024000xf32, #tpu.memory_space<vmem_shared>>
    %dma_start3A_31 = tpu.memref_slice %arg8[%dma_start3A_24] : memref<4x!tpu.dma_semaphore, #tpu.memory_space<semaphore_mem>> -> memref<1x!tpu.dma_semaphore, #tpu.memory_space<semaphore_mem>>
    %dma_start3A_32 = tpu.memref_squeeze %dma_start3A_31 : memref<1x!tpu.dma_semaphore, #tpu.memory_space<semaphore_mem>> -> memref<!tpu.dma_semaphore, #tpu.memory_space<semaphore_mem>>
    tpu.enqueue_indirect_dma source(%dma_start3A_30 : memref<1024000xf32, #tpu.memory_space<vmem_shared>>) target(%dma_start3A_26 : memref<6400xf32, #tpu.memory_space<vmem>>) offsets(%dma_start3A_28 : memref<6400xi32, #tpu.memory_space<vmem>>) semaphore(%dma_start3A_32 : memref<!tpu.dma_semaphore, #tpu.memory_space<semaphore_mem>>)
    %dma_start3A_33 = arith.constant 3 : i32
    %dma_start3A_34 = arith.constant 19200 : i32
    %dma_start3A_35 = tpu.memref_slice %arg7[%dma_start3A_34] : memref<25600xf32, #tpu.memory_space<vmem>> -> memref<6400xf32, #tpu.memory_space<vmem>>
    %dma_start3A_36 = arith.constant 19200 : i32
    %dma_start3A_37 = tpu.memref_slice %arg6[%dma_start3A_36] : memref<25600xi32, #tpu.memory_space<vmem>> -> memref<6400xi32, #tpu.memory_space<vmem>>
    %dma_start3A_38 = arith.constant 0 : i32
    %dma_start3A_39 = tpu.memref_slice %arg5[%dma_start3A_38] : memref<1024000xf32, #tpu.memory_space<vmem_shared>> -> memref<1024000xf32, #tpu.memory_space<vmem_shared>>
    %dma_start3A_40 = tpu.memref_slice %arg8[%dma_start3A_33] : memref<4x!tpu.dma_semaphore, #tpu.memory_space<semaphore_mem>> -> memref<1x!tpu.dma_semaphore, #tpu.memory_space<semaphore_mem>>
    %dma_start3A_41 = tpu.memref_squeeze %dma_start3A_40 : memref<1x!tpu.dma_semaphore, #tpu.memory_space<semaphore_mem>> -> memref<!tpu.dma_semaphore, #tpu.memory_space<semaphore_mem>>
    tpu.enqueue_indirect_dma source(%dma_start3A_39 : memref<1024000xf32, #tpu.memory_space<vmem_shared>>) target(%dma_start3A_35 : memref<6400xf32, #tpu.memory_space<vmem>>) offsets(%dma_start3A_37 : memref<6400xi32, #tpu.memory_space<vmem>>) semaphore(%dma_start3A_41 : memref<!tpu.dma_semaphore, #tpu.memory_space<semaphore_mem>>)
    %dma_wait3A = arith.constant 0 : i32
    %dma_wait3A_42 = arith.constant 0 : i32
    %dma_wait3A_43 = tpu.memref_slice %arg7[%dma_wait3A_42] : memref<25600xf32, #tpu.memory_space<vmem>> -> memref<6400xf32, #tpu.memory_space<vmem>>
    %dma_wait3A_44 = arith.constant 0 : i32
    %dma_wait3A_45 = tpu.memref_slice %arg6[%dma_wait3A_44] : memref<25600xi32, #tpu.memory_space<vmem>> -> memref<6400xi32, #tpu.memory_space<vmem>>
    %dma_wait3A_46 = arith.constant 0 : i32
    %dma_wait3A_47 = tpu.memref_slice %arg5[%dma_wait3A_46] : memref<1024000xf32, #tpu.memory_space<vmem_shared>> -> memref<1024000xf32, #tpu.memory_space<vmem_shared>>
    %dma_wait3A_48 = tpu.memref_slice %arg8[%dma_wait3A] : memref<4x!tpu.dma_semaphore, #tpu.memory_space<semaphore_mem>> -> memref<1x!tpu.dma_semaphore, #tpu.memory_space<semaphore_mem>>
    %dma_wait3A_49 = tpu.memref_squeeze %dma_wait3A_48 : memref<1x!tpu.dma_semaphore, #tpu.memory_space<semaphore_mem>> -> memref<!tpu.dma_semaphore, #tpu.memory_space<semaphore_mem>>
    tpu.wait_indirect_dma semaphore(%dma_wait3A_49 : memref<!tpu.dma_semaphore, #tpu.memory_space<semaphore_mem>>) src(%dma_wait3A_47 : memref<1024000xf32, #tpu.memory_space<vmem_shared>>) dst(%dma_wait3A_43 : memref<6400xf32, #tpu.memory_space<vmem>>)
    %add3A_50 = arith.constant 0 : i32
    %add3A_51 = arith.addi %mul3A_2, %add3A_50 : i32
    "tpu.region"() ({
      %run_scoped3A = tpu.sem_alloc : memref<!tpu.dma_semaphore, #tpu.memory_space<semaphore_mem>>
      %dma_start3A_85 = arith.constant 0 : i32
      %dma_start3A_86 = tpu.memref_slice %arg7[%dma_start3A_85] : memref<25600xf32, #tpu.memory_space<vmem>> -> memref<6400xf32, #tpu.memory_space<vmem>>
      %dma_start3A_87 = tpu.memref_slice %arg4[%add3A_51] : memref<819200xf32, #tpu.memory_space<hbm>> -> memref<6400xf32, #tpu.memory_space<hbm>>
      %dma_start3A_88 = tpu.memref_slice %arg4[%add3A_51] : memref<819200xf32, #tpu.memory_space<hbm>> -> memref<6400xf32, #tpu.memory_space<hbm>>
      %dma_start3A_89 = arith.constant 0 : i32
      %dma_start3A_90 = tpu.memref_slice %arg7[%dma_start3A_89] : memref<25600xf32, #tpu.memory_space<vmem>> -> memref<6400xf32, #tpu.memory_space<vmem>>
      tpu.enqueue_dma source(%dma_start3A_90 : memref<6400xf32, #tpu.memory_space<vmem>>) target(%dma_start3A_88 : memref<6400xf32, #tpu.memory_space<hbm>>) target_semaphore(%run_scoped3A : memref<!tpu.dma_semaphore, #tpu.memory_space<semaphore_mem>>)
      %dma_wait3A_91 = arith.constant 0 : i32
      %dma_wait3A_92 = tpu.memref_slice %arg7[%dma_wait3A_91] : memref<25600xf32, #tpu.memory_space<vmem>> -> memref<6400xf32, #tpu.memory_space<vmem>>
      %dma_wait3A_93 = tpu.memref_slice %arg4[%add3A_51] : memref<819200xf32, #tpu.memory_space<hbm>> -> memref<6400xf32, #tpu.memory_space<hbm>>
      %dma_wait3A_94 = tpu.memref_slice %arg4[%add3A_51] : memref<819200xf32, #tpu.memory_space<hbm>> -> memref<6400xf32, #tpu.memory_space<hbm>>
      %dma_wait3A_95 = arith.constant 0 : i32
      %dma_wait3A_96 = tpu.memref_slice %arg7[%dma_wait3A_95] : memref<25600xf32, #tpu.memory_space<vmem>> -> memref<6400xf32, #tpu.memory_space<vmem>>
      tpu.wait_dma2 semaphore(%run_scoped3A : memref<!tpu.dma_semaphore, #tpu.memory_space<semaphore_mem>>) src(%dma_wait3A_96 : memref<6400xf32, #tpu.memory_space<vmem>>) dst(%dma_wait3A_94 : memref<6400xf32, #tpu.memory_space<hbm>>)
      tpu.yield
    }) : () -> ()
    %dma_wait3A_52 = arith.constant 1 : i32
    %dma_wait3A_53 = arith.constant 6400 : i32
    %dma_wait3A_54 = tpu.memref_slice %arg7[%dma_wait3A_53] : memref<25600xf32, #tpu.memory_space<vmem>> -> memref<6400xf32, #tpu.memory_space<vmem>>
    %dma_wait3A_55 = arith.constant 6400 : i32
    %dma_wait3A_56 = tpu.memref_slice %arg6[%dma_wait3A_55] : memref<25600xi32, #tpu.memory_space<vmem>> -> memref<6400xi32, #tpu.memory_space<vmem>>
    %dma_wait3A_57 = arith.constant 0 : i32
    %dma_wait3A_58 = tpu.memref_slice %arg5[%dma_wait3A_57] : memref<1024000xf32, #tpu.memory_space<vmem_shared>> -> memref<1024000xf32, #tpu.memory_space<vmem_shared>>
    %dma_wait3A_59 = tpu.memref_slice %arg8[%dma_wait3A_52] : memref<4x!tpu.dma_semaphore, #tpu.memory_space<semaphore_mem>> -> memref<1x!tpu.dma_semaphore, #tpu.memory_space<semaphore_mem>>
    %dma_wait3A_60 = tpu.memref_squeeze %dma_wait3A_59 : memref<1x!tpu.dma_semaphore, #tpu.memory_space<semaphore_mem>> -> memref<!tpu.dma_semaphore, #tpu.memory_space<semaphore_mem>>
    tpu.wait_indirect_dma semaphore(%dma_wait3A_60 : memref<!tpu.dma_semaphore, #tpu.memory_space<semaphore_mem>>) src(%dma_wait3A_58 : memref<1024000xf32, #tpu.memory_space<vmem_shared>>) dst(%dma_wait3A_54 : memref<6400xf32, #tpu.memory_space<vmem>>)
    %add3A_61 = arith.constant 6400 : i32
    %add3A_62 = arith.addi %mul3A_2, %add3A_61 : i32
    "tpu.region"() ({
      %run_scoped3A = tpu.sem_alloc : memref<!tpu.dma_semaphore, #tpu.memory_space<semaphore_mem>>
      %dma_start3A_85 = arith.constant 6400 : i32
      %dma_start3A_86 = tpu.memref_slice %arg7[%dma_start3A_85] : memref<25600xf32, #tpu.memory_space<vmem>> -> memref<6400xf32, #tpu.memory_space<vmem>>
      %dma_start3A_87 = tpu.memref_slice %arg4[%add3A_62] : memref<819200xf32, #tpu.memory_space<hbm>> -> memref<6400xf32, #tpu.memory_space<hbm>>
      %dma_start3A_88 = tpu.memref_slice %arg4[%add3A_62] : memref<819200xf32, #tpu.memory_space<hbm>> -> memref<6400xf32, #tpu.memory_space<hbm>>
      %dma_start3A_89 = arith.constant 6400 : i32
      %dma_start3A_90 = tpu.memref_slice %arg7[%dma_start3A_89] : memref<25600xf32, #tpu.memory_space<vmem>> -> memref<6400xf32, #tpu.memory_space<vmem>>
      tpu.enqueue_dma source(%dma_start3A_90 : memref<6400xf32, #tpu.memory_space<vmem>>) target(%dma_start3A_88 : memref<6400xf32, #tpu.memory_space<hbm>>) target_semaphore(%run_scoped3A : memref<!tpu.dma_semaphore, #tpu.memory_space<semaphore_mem>>)
      %dma_wait3A_91 = arith.constant 6400 : i32
      %dma_wait3A_92 = tpu.memref_slice %arg7[%dma_wait3A_91] : memref<25600xf32, #tpu.memory_space<vmem>> -> memref<6400xf32, #tpu.memory_space<vmem>>
      %dma_wait3A_93 = tpu.memref_slice %arg4[%add3A_62] : memref<819200xf32, #tpu.memory_space<hbm>> -> memref<6400xf32, #tpu.memory_space<hbm>>
      %dma_wait3A_94 = tpu.memref_slice %arg4[%add3A_62] : memref<819200xf32, #tpu.memory_space<hbm>> -> memref<6400xf32, #tpu.memory_space<hbm>>
      %dma_wait3A_95 = arith.constant 6400 : i32
      %dma_wait3A_96 = tpu.memref_slice %arg7[%dma_wait3A_95] : memref<25600xf32, #tpu.memory_space<vmem>> -> memref<6400xf32, #tpu.memory_space<vmem>>
      tpu.wait_dma2 semaphore(%run_scoped3A : memref<!tpu.dma_semaphore, #tpu.memory_space<semaphore_mem>>) src(%dma_wait3A_96 : memref<6400xf32, #tpu.memory_space<vmem>>) dst(%dma_wait3A_94 : memref<6400xf32, #tpu.memory_space<hbm>>)
      tpu.yield
    }) : () -> ()
    %dma_wait3A_63 = arith.constant 2 : i32
    %dma_wait3A_64 = arith.constant 12800 : i32
    %dma_wait3A_65 = tpu.memref_slice %arg7[%dma_wait3A_64] : memref<25600xf32, #tpu.memory_space<vmem>> -> memref<6400xf32, #tpu.memory_space<vmem>>
    %dma_wait3A_66 = arith.constant 12800 : i32
    %dma_wait3A_67 = tpu.memref_slice %arg6[%dma_wait3A_66] : memref<25600xi32, #tpu.memory_space<vmem>> -> memref<6400xi32, #tpu.memory_space<vmem>>
    %dma_wait3A_68 = arith.constant 0 : i32
    %dma_wait3A_69 = tpu.memref_slice %arg5[%dma_wait3A_68] : memref<1024000xf32, #tpu.memory_space<vmem_shared>> -> memref<1024000xf32, #tpu.memory_space<vmem_shared>>
    %dma_wait3A_70 = tpu.memref_slice %arg8[%dma_wait3A_63] : memref<4x!tpu.dma_semaphore, #tpu.memory_space<semaphore_mem>> -> memref<1x!tpu.dma_semaphore, #tpu.memory_space<semaphore_mem>>
    %dma_wait3A_71 = tpu.memref_squeeze %dma_wait3A_70 : memref<1x!tpu.dma_semaphore, #tpu.memory_space<semaphore_mem>> -> memref<!tpu.dma_semaphore, #tpu.memory_space<semaphore_mem>>
    tpu.wait_indirect_dma semaphore(%dma_wait3A_71 : memref<!tpu.dma_semaphore, #tpu.memory_space<semaphore_mem>>) src(%dma_wait3A_69 : memref<1024000xf32, #tpu.memory_space<vmem_shared>>) dst(%dma_wait3A_65 : memref<6400xf32, #tpu.memory_space<vmem>>)
    %add3A_72 = arith.constant 12800 : i32
    %add3A_73 = arith.addi %mul3A_2, %add3A_72 : i32
    "tpu.region"() ({
      %run_scoped3A = tpu.sem_alloc : memref<!tpu.dma_semaphore, #tpu.memory_space<semaphore_mem>>
      %dma_start3A_85 = arith.constant 12800 : i32
      %dma_start3A_86 = tpu.memref_slice %arg7[%dma_start3A_85] : memref<25600xf32, #tpu.memory_space<vmem>> -> memref<6400xf32, #tpu.memory_space<vmem>>
      %dma_start3A_87 = tpu.memref_slice %arg4[%add3A_73] : memref<819200xf32, #tpu.memory_space<hbm>> -> memref<6400xf32, #tpu.memory_space<hbm>>
      %dma_start3A_88 = tpu.memref_slice %arg4[%add3A_73] : memref<819200xf32, #tpu.memory_space<hbm>> -> memref<6400xf32, #tpu.memory_space<hbm>>
      %dma_start3A_89 = arith.constant 12800 : i32
      %dma_start3A_90 = tpu.memref_slice %arg7[%dma_start3A_89] : memref<25600xf32, #tpu.memory_space<vmem>> -> memref<6400xf32, #tpu.memory_space<vmem>>
      tpu.enqueue_dma source(%dma_start3A_90 : memref<6400xf32, #tpu.memory_space<vmem>>) target(%dma_start3A_88 : memref<6400xf32, #tpu.memory_space<hbm>>) target_semaphore(%run_scoped3A : memref<!tpu.dma_semaphore, #tpu.memory_space<semaphore_mem>>)
      %dma_wait3A_91 = arith.constant 12800 : i32
      %dma_wait3A_92 = tpu.memref_slice %arg7[%dma_wait3A_91] : memref<25600xf32, #tpu.memory_space<vmem>> -> memref<6400xf32, #tpu.memory_space<vmem>>
      %dma_wait3A_93 = tpu.memref_slice %arg4[%add3A_73] : memref<819200xf32, #tpu.memory_space<hbm>> -> memref<6400xf32, #tpu.memory_space<hbm>>
      %dma_wait3A_94 = tpu.memref_slice %arg4[%add3A_73] : memref<819200xf32, #tpu.memory_space<hbm>> -> memref<6400xf32, #tpu.memory_space<hbm>>
      %dma_wait3A_95 = arith.constant 12800 : i32
      %dma_wait3A_96 = tpu.memref_slice %arg7[%dma_wait3A_95] : memref<25600xf32, #tpu.memory_space<vmem>> -> memref<6400xf32, #tpu.memory_space<vmem>>
      tpu.wait_dma2 semaphore(%run_scoped3A : memref<!tpu.dma_semaphore, #tpu.memory_space<semaphore_mem>>) src(%dma_wait3A_96 : memref<6400xf32, #tpu.memory_space<vmem>>) dst(%dma_wait3A_94 : memref<6400xf32, #tpu.memory_space<hbm>>)
      tpu.yield
    }) : () -> ()
    %dma_wait3A_74 = arith.constant 3 : i32
    %dma_wait3A_75 = arith.constant 19200 : i32
    %dma_wait3A_76 = tpu.memref_slice %arg7[%dma_wait3A_75] : memref<25600xf32, #tpu.memory_space<vmem>> -> memref<6400xf32, #tpu.memory_space<vmem>>
    %dma_wait3A_77 = arith.constant 19200 : i32
    %dma_wait3A_78 = tpu.memref_slice %arg6[%dma_wait3A_77] : memref<25600xi32, #tpu.memory_space<vmem>> -> memref<6400xi32, #tpu.memory_space<vmem>>
    %dma_wait3A_79 = arith.constant 0 : i32
    %dma_wait3A_80 = tpu.memref_slice %arg5[%dma_wait3A_79] : memref<1024000xf32, #tpu.memory_space<vmem_shared>> -> memref<1024000xf32, #tpu.memory_space<vmem_shared>>
    %dma_wait3A_81 = tpu.memref_slice %arg8[%dma_wait3A_74] : memref<4x!tpu.dma_semaphore, #tpu.memory_space<semaphore_mem>> -> memref<1x!tpu.dma_semaphore, #tpu.memory_space<semaphore_mem>>
    %dma_wait3A_82 = tpu.memref_squeeze %dma_wait3A_81 : memref<1x!tpu.dma_semaphore, #tpu.memory_space<semaphore_mem>> -> memref<!tpu.dma_semaphore, #tpu.memory_space<semaphore_mem>>
    tpu.wait_indirect_dma semaphore(%dma_wait3A_82 : memref<!tpu.dma_semaphore, #tpu.memory_space<semaphore_mem>>) src(%dma_wait3A_80 : memref<1024000xf32, #tpu.memory_space<vmem_shared>>) dst(%dma_wait3A_76 : memref<6400xf32, #tpu.memory_space<vmem>>)
    %add3A_83 = arith.constant 19200 : i32
    %add3A_84 = arith.addi %mul3A_2, %add3A_83 : i32
    "tpu.region"() ({
      %run_scoped3A = tpu.sem_alloc : memref<!tpu.dma_semaphore, #tpu.memory_space<semaphore_mem>>
      %dma_start3A_85 = arith.constant 19200 : i32
      %dma_start3A_86 = tpu.memref_slice %arg7[%dma_start3A_85] : memref<25600xf32, #tpu.memory_space<vmem>> -> memref<6400xf32, #tpu.memory_space<vmem>>
      %dma_start3A_87 = tpu.memref_slice %arg4[%add3A_84] : memref<819200xf32, #tpu.memory_space<hbm>> -> memref<6400xf32, #tpu.memory_space<hbm>>
      %dma_start3A_88 = tpu.memref_slice %arg4[%add3A_84] : memref<819200xf32, #tpu.memory_space<hbm>> -> memref<6400xf32, #tpu.memory_space<hbm>>
      %dma_start3A_89 = arith.constant 19200 : i32
      %dma_start3A_90 = tpu.memref_slice %arg7[%dma_start3A_89] : memref<25600xf32, #tpu.memory_space<vmem>> -> memref<6400xf32, #tpu.memory_space<vmem>>
      tpu.enqueue_dma source(%dma_start3A_90 : memref<6400xf32, #tpu.memory_space<vmem>>) target(%dma_start3A_88 : memref<6400xf32, #tpu.memory_space<hbm>>) target_semaphore(%run_scoped3A : memref<!tpu.dma_semaphore, #tpu.memory_space<semaphore_mem>>)
      %dma_wait3A_91 = arith.constant 19200 : i32
      %dma_wait3A_92 = tpu.memref_slice %arg7[%dma_wait3A_91] : memref<25600xf32, #tpu.memory_space<vmem>> -> memref<6400xf32, #tpu.memory_space<vmem>>
      %dma_wait3A_93 = tpu.memref_slice %arg4[%add3A_84] : memref<819200xf32, #tpu.memory_space<hbm>> -> memref<6400xf32, #tpu.memory_space<hbm>>
      %dma_wait3A_94 = tpu.memref_slice %arg4[%add3A_84] : memref<819200xf32, #tpu.memory_space<hbm>> -> memref<6400xf32, #tpu.memory_space<hbm>>
      %dma_wait3A_95 = arith.constant 19200 : i32
      %dma_wait3A_96 = tpu.memref_slice %arg7[%dma_wait3A_95] : memref<25600xf32, #tpu.memory_space<vmem>> -> memref<6400xf32, #tpu.memory_space<vmem>>
      tpu.wait_dma2 semaphore(%run_scoped3A : memref<!tpu.dma_semaphore, #tpu.memory_space<semaphore_mem>>) src(%dma_wait3A_96 : memref<6400xf32, #tpu.memory_space<vmem>>) dst(%dma_wait3A_94 : memref<6400xf32, #tpu.memory_space<hbm>>)
      tpu.yield
    }) : () -> ()
    return
  }
}

module attributes {stable_mosaic.version = 14 : i64} {
  func.func @_rowsum_body(%arg0: i32, %arg1: memref<64x40960xf32, #tpu.memory_space<vmem>>, %arg2: memref<40960xf32, #tpu.memory_space<vmem>>) attributes {dimension_semantics = [#tpu.dimension_semantics<arbitrary>], iteration_bounds = array<i64: 25>, scalar_prefetch = 0 : i64, scratch_operands = 0 : i64, tpu.core_type = #tpu.core_type<tc>, window_params = [{transform_indices = @transform_0, window_bounds = array<i64: 64, 40960>}, {transform_indices = @transform_1, window_bounds = array<i64: 40960>}]} {
    %get3A = arith.constant 0 : index
    %get3A_0 = arith.constant 0 : index
    %get3A_1 = vector.load %arg1[%get3A, %get3A_0] : memref<64x40960xf32, #tpu.memory_space<vmem>>, vector<64x40960xf32>
    %reduce_sum3A = arith.constant dense<0.000000e+00> : vector<40960xf32>
    %reduce_sum3A_2 = vector.multi_reduction <add>, %get3A_1, %reduce_sum3A [0] : vector<64x40960xf32> to vector<40960xf32>
    %swap3A = arith.constant 0 : index
    %swap3A_3 = vector.load %arg2[%swap3A] : memref<40960xf32, #tpu.memory_space<vmem>>, vector<40960xf32>
    tpu.vector_store %arg2[%swap3A], %reduce_sum3A_2 {strides = array<i32>} : memref<40960xf32, #tpu.memory_space<vmem>>, vector<40960xf32>,
    return
  }
  func.func @transform_0(%arg0: i32) -> (i32, i32) {
    %c0_i32 = arith.constant 0 : i32
    %c0_i32_0 = arith.constant 0 : i32
    return %c0_i32, %arg0 : i32, i32
  }
  func.func @transform_1(%arg0: i32) -> i32 {
    %c0_i32 = arith.constant 0 : i32
    return %arg0 : i32
  }
}

module attributes {stable_mosaic.version = 14 : i64} {
  func.func @_mlp_pre_body(%arg0: i32, %arg1: memref<200x2048xf32, #tpu.memory_space<vmem>>, %arg2: memref<200x2048xf32, #tpu.memory_space<vmem>>, %arg3: memref<64x2048xf32, #tpu.memory_space<vmem>>, %arg4: memref<200x256xf32, #tpu.memory_space<vmem>>, %arg5: memref<200x256xf32, #tpu.memory_space<vmem>>, %arg6: memref<64x256xf32, #tpu.memory_space<vmem>>, %arg7: memref<1x256xf32, #tpu.memory_space<vmem>>, %arg8: memref<2048x256xf32, #tpu.memory_space<vmem>>) attributes {dimension_semantics = [#tpu.dimension_semantics<arbitrary>], iteration_bounds = array<i64: 2>, scalar_prefetch = 0 : i64, scratch_operands = 0 : i64, tpu.core_type = #tpu.core_type<tc>, window_params = [{transform_indices = @transform_0, window_bounds = array<i64: 200, 2048>}, {transform_indices = @transform_1, window_bounds = array<i64: 200, 2048>}, {transform_indices = @transform_2, window_bounds = array<i64: 64, 2048>}, {pipeline_mode = #tpu.pipeline_mode<synchronous>, transform_indices = @transform_3, window_bounds = array<i64: 200, 256>}, {pipeline_mode = #tpu.pipeline_mode<synchronous>, transform_indices = @transform_4, window_bounds = array<i64: 200, 256>}, {pipeline_mode = #tpu.pipeline_mode<synchronous>, transform_indices = @transform_5, window_bounds = array<i64: 64, 256>}, {pipeline_mode = #tpu.pipeline_mode<synchronous>, transform_indices = @transform_6, window_bounds = array<i64: 1, 256>}, {transform_indices = @transform_7, window_bounds = array<i64: 2048, 256>}]} {
    %get3A = arith.constant 0 : index
    %get3A_0 = arith.constant 0 : index
    %get3A_1 = vector.load %arg1[%get3A, %get3A_0] : memref<200x2048xf32, #tpu.memory_space<vmem>>, vector<200x2048xf32>
    %get3A_2 = arith.constant 0 : index
    %get3A_3 = arith.constant 0 : index
    %get3A_4 = vector.load %arg4[%get3A_2, %get3A_3] : memref<200x256xf32, #tpu.memory_space<vmem>>, vector<200x256xf32>
    %dot_general3A = arith.constant dense<0.000000e+00> : vector<2048x256xf32>
    %dot_general3A_5 = tpu.matmul %get3A_1, %get3A_4, %dot_general3A {dimension_numbers = #tpu.dot_dimension_numbers<[0], [0], [1], [1], [0, 1, 1, 1], [], []>, transpose_lhs_hint = false} : vector<200x2048xf32>, vector<200x256xf32>, vector<2048x256xf32> -> vector<2048x256xf32>
    %get3A_6 = arith.constant 0 : index
    %get3A_7 = arith.constant 0 : index
    %get3A_8 = vector.load %arg2[%get3A_6, %get3A_7] : memref<200x2048xf32, #tpu.memory_space<vmem>>, vector<200x2048xf32>
    %get3A_9 = arith.constant 0 : index
    %get3A_10 = arith.constant 0 : index
    %get3A_11 = vector.load %arg5[%get3A_9, %get3A_10] : memref<200x256xf32, #tpu.memory_space<vmem>>, vector<200x256xf32>
    %dot_general3A_12 = arith.constant dense<0.000000e+00> : vector<2048x256xf32>
    %dot_general3A_13 = tpu.matmul %get3A_8, %get3A_11, %dot_general3A_12 {dimension_numbers = #tpu.dot_dimension_numbers<[0], [0], [1], [1], [0, 1, 1, 1], [], []>, transpose_lhs_hint = false} : vector<200x2048xf32>, vector<200x256xf32>, vector<2048x256xf32> -> vector<2048x256xf32>
    %add3A = arith.addf %dot_general3A_5, %dot_general3A_13 : vector<2048x256xf32>
    %get3A_14 = arith.constant 0 : index
    %get3A_15 = arith.constant 0 : index
    %get3A_16 = vector.load %arg3[%get3A_14, %get3A_15] : memref<64x2048xf32, #tpu.memory_space<vmem>>, vector<64x2048xf32>
    %get3A_17 = arith.constant 0 : index
    %get3A_18 = arith.constant 0 : index
    %get3A_19 = vector.load %arg6[%get3A_17, %get3A_18] : memref<64x256xf32, #tpu.memory_space<vmem>>, vector<64x256xf32>
    %dot_general3A_20 = arith.constant dense<0.000000e+00> : vector<2048x256xf32>
    %dot_general3A_21 = tpu.matmul %get3A_16, %get3A_19, %dot_general3A_20 {dimension_numbers = #tpu.dot_dimension_numbers<[0], [0], [1], [1], [0, 1, 1, 1], [], []>, transpose_lhs_hint = false} : vector<64x2048xf32>, vector<64x256xf32>, vector<2048x256xf32> -> vector<2048x256xf32>
    %add3A_22 = arith.addf %add3A, %dot_general3A_21 : vector<2048x256xf32>
    %get3A_23 = arith.constant 0 : index
    %get3A_24 = arith.constant 0 : index
    %get3A_25 = vector.load %arg7[%get3A_23, %get3A_24] : memref<1x256xf32, #tpu.memory_space<vmem>>, vector<1x256xf32>
    %add3A_26 = vector.broadcast %get3A_25 : vector<1x256xf32> to vector<2048x256xf32>
    %add3A_27 = arith.addf %add3A_22, %add3A_26 : vector<2048x256xf32>
    %swap3A = arith.constant 0 : index
    %swap3A_28 = arith.constant 0 : index
    %swap3A_29 = vector.load %arg8[%swap3A, %swap3A_28] : memref<2048x256xf32, #tpu.memory_space<vmem>>, vector<2048x256xf32>
    tpu.vector_store %arg8[%swap3A, %swap3A_28], %add3A_27 {strides = array<i32>} : memref<2048x256xf32, #tpu.memory_space<vmem>>, vector<2048x256xf32>,
    return
  }
  func.func @transform_0(%arg0: i32) -> (i32, i32) {
    %c0_i32 = arith.constant 0 : i32
    %c0_i32_0 = arith.constant 0 : i32
    return %c0_i32, %arg0 : i32, i32
  }
  func.func @transform_1(%arg0: i32) -> (i32, i32) {
    %c0_i32 = arith.constant 0 : i32
    %c0_i32_0 = arith.constant 0 : i32
    return %c0_i32, %arg0 : i32, i32
  }
  func.func @transform_2(%arg0: i32) -> (i32, i32) {
    %c0_i32 = arith.constant 0 : i32
    %c0_i32_0 = arith.constant 0 : i32
    return %c0_i32, %arg0 : i32, i32
  }
  func.func @transform_3(%arg0: i32) -> (i32, i32) {
    %c0_i32 = arith.constant 0 : i32
    %c0_i32_0 = arith.constant 0 : i32
    %c0_i32_1 = arith.constant 0 : i32
    return %c0_i32, %c0_i32_0 : i32, i32
  }
  func.func @transform_4(%arg0: i32) -> (i32, i32) {
    %c0_i32 = arith.constant 0 : i32
    %c0_i32_0 = arith.constant 0 : i32
    %c0_i32_1 = arith.constant 0 : i32
    return %c0_i32, %c0_i32_0 : i32, i32
  }
  func.func @transform_5(%arg0: i32) -> (i32, i32) {
    %c0_i32 = arith.constant 0 : i32
    %c0_i32_0 = arith.constant 0 : i32
    %c0_i32_1 = arith.constant 0 : i32
    return %c0_i32, %c0_i32_0 : i32, i32
  }
  func.func @transform_6(%arg0: i32) -> (i32, i32) {
    %c0_i32 = arith.constant 0 : i32
    %c0_i32_0 = arith.constant 0 : i32
    %c0_i32_1 = arith.constant 0 : i32
    return %c0_i32, %c0_i32_0 : i32, i32
  }
  func.func @transform_7(%arg0: i32) -> (i32, i32) {
    %c0_i32 = arith.constant 0 : i32
    %c0_i32_0 = arith.constant 0 : i32
    return %arg0, %c0_i32 : i32, i32
  }
}

module attributes {stable_mosaic.version = 14 : i64} {
  func.func @_mlp_body(%arg0: i32, %arg1: memref<200x2048xf32, #tpu.memory_space<vmem>>, %arg2: memref<200x2048xf32, #tpu.memory_space<vmem>>, %arg3: memref<2048x256xf32, #tpu.memory_space<vmem>>, %arg4: memref<200x256xf32, #tpu.memory_space<vmem>>, %arg5: memref<256x128xf32, #tpu.memory_space<vmem>>, %arg6: memref<1x128xf32, #tpu.memory_space<vmem>>, %arg7: memref<128x128xf32, #tpu.memory_space<vmem>>, %arg8: memref<1x128xf32, #tpu.memory_space<vmem>>, %arg9: memref<2048x128xf32, #tpu.memory_space<vmem>>) attributes {dimension_semantics = [#tpu.dimension_semantics<arbitrary>], iteration_bounds = array<i64: 2>, scalar_prefetch = 0 : i64, scratch_operands = 0 : i64, tpu.core_type = #tpu.core_type<tc>, window_params = [{transform_indices = @transform_0, window_bounds = array<i64: 200, 2048>}, {transform_indices = @transform_1, window_bounds = array<i64: 200, 2048>}, {transform_indices = @transform_2, window_bounds = array<i64: 2048, 256>}, {pipeline_mode = #tpu.pipeline_mode<synchronous>, transform_indices = @transform_3, window_bounds = array<i64: 200, 256>}, {pipeline_mode = #tpu.pipeline_mode<synchronous>, transform_indices = @transform_4, window_bounds = array<i64: 256, 128>}, {pipeline_mode = #tpu.pipeline_mode<synchronous>, transform_indices = @transform_5, window_bounds = array<i64: 1, 128>}, {pipeline_mode = #tpu.pipeline_mode<synchronous>, transform_indices = @transform_6, window_bounds = array<i64: 128, 128>}, {pipeline_mode = #tpu.pipeline_mode<synchronous>, transform_indices = @transform_7, window_bounds = array<i64: 1, 128>}, {transform_indices = @transform_8, window_bounds = array<i64: 2048, 128>}]} {
    %get3A = arith.constant 0 : index
    %get3A_0 = arith.constant 0 : index
    %get3A_1 = vector.load %arg1[%get3A, %get3A_0] : memref<200x2048xf32, #tpu.memory_space<vmem>>, vector<200x2048xf32>
    %get3A_2 = arith.constant 0 : index
    %get3A_3 = arith.constant 0 : index
    %get3A_4 = vector.load %arg2[%get3A_2, %get3A_3] : memref<200x2048xf32, #tpu.memory_space<vmem>>, vector<200x2048xf32>
    %mul3A = arith.mulf %get3A_1, %get3A_4 : vector<200x2048xf32>
    %mul3A_5 = arith.constant 1.562500e-02 : f32
    %mul3A_6 = vector.broadcast %mul3A_5 : f32 to vector<200x2048xf32>
    %mul3A_7 = arith.mulf %mul3A, %mul3A_6 : vector<200x2048xf32>
    %get3A_8 = arith.constant 0 : index
    %get3A_9 = arith.constant 0 : index
    %get3A_10 = vector.load %arg4[%get3A_8, %get3A_9] : memref<200x256xf32, #tpu.memory_space<vmem>>, vector<200x256xf32>
    %dot_general3A = arith.constant dense<0.000000e+00> : vector<2048x256xf32>
    %dot_general3A_11 = tpu.matmul %mul3A_7, %get3A_10, %dot_general3A {dimension_numbers = #tpu.dot_dimension_numbers<[0], [0], [1], [1], [0, 1, 1, 1], [], []>, transpose_lhs_hint = false} : vector<200x2048xf32>, vector<200x256xf32>, vector<2048x256xf32> -> vector<2048x256xf32>
    %get3A_12 = arith.constant 0 : index
    %get3A_13 = arith.constant 0 : index
    %get3A_14 = vector.load %arg3[%get3A_12, %get3A_13] : memref<2048x256xf32, #tpu.memory_space<vmem>>, vector<2048x256xf32>
    %add3A = arith.addf %dot_general3A_11, %get3A_14 : vector<2048x256xf32>
    %max3A = arith.constant 0.000000e+00 : f32
    %max3A_15 = vector.broadcast %max3A : f32 to vector<2048x256xf32>
    %max3A_16 = arith.maximumf %add3A, %max3A_15 : vector<2048x256xf32>
    %get3A_17 = arith.constant 0 : index
    %get3A_18 = arith.constant 0 : index
    %get3A_19 = vector.load %arg5[%get3A_17, %get3A_18] : memref<256x128xf32, #tpu.memory_space<vmem>>, vector<256x128xf32>
    %dot_general3A_20 = arith.constant dense<0.000000e+00> : vector<2048x128xf32>
    %dot_general3A_21 = tpu.matmul %max3A_16, %get3A_19, %dot_general3A_20 {dimension_numbers = #tpu.dot_dimension_numbers<[1], [0], [0], [1], [0, 0, 1, 1], [], []>, transpose_lhs_hint = false} : vector<2048x256xf32>, vector<256x128xf32>, vector<2048x128xf32> -> vector<2048x128xf32>
    %get3A_22 = arith.constant 0 : index
    %get3A_23 = arith.constant 0 : index
    %get3A_24 = vector.load %arg6[%get3A_22, %get3A_23] : memref<1x128xf32, #tpu.memory_space<vmem>>, vector<1x128xf32>
    %add3A_25 = vector.broadcast %get3A_24 : vector<1x128xf32> to vector<2048x128xf32>
    %add3A_26 = arith.addf %dot_general3A_21, %add3A_25 : vector<2048x128xf32>
    %max3A_27 = arith.constant 0.000000e+00 : f32
    %max3A_28 = vector.broadcast %max3A_27 : f32 to vector<2048x128xf32>
    %max3A_29 = arith.maximumf %add3A_26, %max3A_28 : vector<2048x128xf32>
    %get3A_30 = arith.constant 0 : index
    %get3A_31 = arith.constant 0 : index
    %get3A_32 = vector.load %arg7[%get3A_30, %get3A_31] : memref<128x128xf32, #tpu.memory_space<vmem>>, vector<128x128xf32>
    %dot_general3A_33 = arith.constant dense<0.000000e+00> : vector<2048x128xf32>
    %dot_general3A_34 = tpu.matmul %max3A_29, %get3A_32, %dot_general3A_33 {dimension_numbers = #tpu.dot_dimension_numbers<[1], [0], [0], [1], [0, 0, 1, 1], [], []>, transpose_lhs_hint = false} : vector<2048x128xf32>, vector<128x128xf32>, vector<2048x128xf32> -> vector<2048x128xf32>
    %get3A_35 = arith.constant 0 : index
    %get3A_36 = arith.constant 0 : index
    %get3A_37 = vector.load %arg8[%get3A_35, %get3A_36] : memref<1x128xf32, #tpu.memory_space<vmem>>, vector<1x128xf32>
    %add3A_38 = vector.broadcast %get3A_37 : vector<1x128xf32> to vector<2048x128xf32>
    %add3A_39 = arith.addf %dot_general3A_34, %add3A_38 : vector<2048x128xf32>
    %swap3A = arith.constant 0 : index
    %swap3A_40 = arith.constant 0 : index
    %swap3A_41 = vector.load %arg9[%swap3A, %swap3A_40] : memref<2048x128xf32, #tpu.memory_space<vmem>>, vector<2048x128xf32>
    tpu.vector_store %arg9[%swap3A, %swap3A_40], %add3A_39 {strides = array<i32>} : memref<2048x128xf32, #tpu.memory_space<vmem>>, vector<2048x128xf32>,
    return
  }
  func.func @transform_0(%arg0: i32) -> (i32, i32) {
    %c0_i32 = arith.constant 0 : i32
    %c0_i32_0 = arith.constant 0 : i32
    return %c0_i32, %arg0 : i32, i32
  }
  func.func @transform_1(%arg0: i32) -> (i32, i32) {
    %c0_i32 = arith.constant 0 : i32
    %c0_i32_0 = arith.constant 0 : i32
    return %c0_i32, %arg0 : i32, i32
  }
  func.func @transform_2(%arg0: i32) -> (i32, i32) {
    %c0_i32 = arith.constant 0 : i32
    %c0_i32_0 = arith.constant 0 : i32
    return %arg0, %c0_i32 : i32, i32
  }
  func.func @transform_3(%arg0: i32) -> (i32, i32) {
    %c0_i32 = arith.constant 0 : i32
    %c0_i32_0 = arith.constant 0 : i32
    %c0_i32_1 = arith.constant 0 : i32
    return %c0_i32, %c0_i32_0 : i32, i32
  }
  func.func @transform_4(%arg0: i32) -> (i32, i32) {
    %c0_i32 = arith.constant 0 : i32
    %c0_i32_0 = arith.constant 0 : i32
    %c0_i32_1 = arith.constant 0 : i32
    return %c0_i32, %c0_i32_0 : i32, i32
  }
  func.func @transform_5(%arg0: i32) -> (i32, i32) {
    %c0_i32 = arith.constant 0 : i32
    %c0_i32_0 = arith.constant 0 : i32
    %c0_i32_1 = arith.constant 0 : i32
    return %c0_i32, %c0_i32_0 : i32, i32
  }
  func.func @transform_6(%arg0: i32) -> (i32, i32) {
    %c0_i32 = arith.constant 0 : i32
    %c0_i32_0 = arith.constant 0 : i32
    %c0_i32_1 = arith.constant 0 : i32
    return %c0_i32, %c0_i32_0 : i32, i32
  }
  func.func @transform_7(%arg0: i32) -> (i32, i32) {
    %c0_i32 = arith.constant 0 : i32
    %c0_i32_0 = arith.constant 0 : i32
    %c0_i32_1 = arith.constant 0 : i32
    return %c0_i32, %c0_i32_0 : i32, i32
  }
  func.func @transform_8(%arg0: i32) -> (i32, i32) {
    %c0_i32 = arith.constant 0 : i32
    %c0_i32_0 = arith.constant 0 : i32
    return %arg0, %c0_i32 : i32, i32
  }
}

</mosaic_0001>

<sc_bundles>
// kernel: kernel.6.cloned.1.call-start
scs
__scs_entry_jumppad:
0x0: {  	(pc) =	sbr.rel $0x88, $3  }
0x1: {  	(tag) =	ssettag $0x0;
	lr =	simm.s32 $0x1  }
0x2: {  	[smem:$0x3F96] =	sst lr;
	_ =	strace $0xD0000000  }
0x3: {  	_ = 	snop  }
0x4: {  	_ = 	snop  }
0x5: {  	_ = 	snop  }
0x6: {  	_ = 	snop  }
0x7: {  	_ = 	snop  }
__scs_overlays_trampoline_lowered:
0x8: {  	[smem:$0x3FA5] =	sst s0  }
0x9: {  	[smem:$0x3FA6] =	sst s1  }
0xa: {  	[smem:$0x3FA7] =	sst s2  }
0xb: {  	[smem:$0x3FA8] =	sst s3  }
0xc: {  	[smem:$0x3FA9] =	sst s4  }
0xd: {  	[smem:$0x3FAA] =	sst s5  }
0xe: {  	[smem:$0x3FAB] =	sst s6  }
0xf: {  	[smem:$0x3FAC] =	sst s7  }
0x10: {  	[smem:$0x3FAD] =	sst s8  }
0x11: {  	[smem:$0x3FAE] =	sst s9;
	s0 =	simm.s32 @!p0 $0x0  }
0x12: {  	s1 =	sld [smem:$0x3F94];
	s0 =	simm.s32 @p0 $0x1  }
0x13: {  	[smem:$0x3FAF] =	sst s0;
	s0 =	simm.s32 @!p1 $0x0  }
0x14: {  	s2 =	sld [smem:$0x3F93];
	s0 =	simm.s32 @p1 $0x1  }
0x15: {  	[smem:$0x3FB0] =	sst s0;
	s0 =	simm.s32 @!p2 $0x0  }
0x16: {  	s3 =	sld [smem:$0x3FDB];
	s0 =	simm.s32 @p2 $0x1  }
0x17: {  	s4 =	simm.s32 $0x1BF5;
	[smem:$0x3FB2] =	sst s0  }
0x18: {  	s0 =	sld [smem:$0x3F95];
	_ =	swait.ge [sflag:s4], $0x0  }
0x19: {  	s7 =	sld [smem:$0x3F96]  }
0x1a: {  	s8 =	sadd.s32 $0xFFFFE003, lr  }
0x1b: {  	s9 =	sadd.s32 $0xFFFFFEF7, lr;
	s5 =	simm.s32 $0xFFFFFFFF;
	p2 =	slt.u32 s8, $0xFFFFF086  }
0x1c: {  	p1 =	slt.u32 s9, $0xF7A;
	s5 =	simm.s32 @!p2 $0x0  }
0x1d: {  	s5 =	simm.s32 @p1 $0x1;
	p0 =	seq.s32 s7, s2  }
0x1e: {  	s7 =	smul.u32 @!p0 $0xF7A, s2;
	p2 =	seq.s32 @!p0 s5, $0x0  }
0x1f: {  	s9 =	smul.u32 $0xF7A, s1;
	s8 =	simm.s32 @!p0 $0x1BF5;
	p2 =	por !p2, p0  }
0x20: {  	[sflag:s8] =	ssyncset.s32 @!p0 $0xFFFFF086;
	s6 =	sadd.s32 @!p0 s3, s7;
	s7 =	simm.s32 @!p0 $0x108  }
0x21: {  	s3 =	sadd.s32 s3, s9;
	s6 =	sadd.s32 @!p0 $0x88, s6;
	s7 =	simm.s32 @p2 $0x1082  }
0x22: {  	[simem:s7], [sflag:s8] =	dma.local @!p0 [hbm:s6], $0xF7A  }
0x23: {  	s9 =	sor.u32 $0xD0000000, s2;
	s6 =	simm.s32 $0x108;
	_ =	swait.ge @!p0 [sflag:s8], $0x0  }
0x24: {  	s3 =	sadd.s32 $0x88, s3;
	s6 =	simm.s32 @!p1 $0x1082;
	[sflag:s4] =	ssyncset.s32 $0xFFFFF086  }
0x25: {  	[simem:s6], [sflag:s4] =	dma.local [hbm:s3], $0xF7A  }
0x26: {  	[smem:$0x3F96] =	sst s1;
	(tag) =	ssettag s2;
	_ =	strace s9  }
0x27: {  	s1 =	sld [smem:$0x3FA6]  }
0x28: {  	s2 =	sld [smem:$0x3FA7]  }
0x29: {  	s4 =	sld [smem:$0x3FA9]  }
0x2a: {  	p0 =	seq.s32 s5, $0x0;
	s5 =	sld [smem:$0x3FAA]  }
0x2b: {  	s6 =	sld [smem:$0x3FAB]  }
0x2c: {  	s7 =	sld [smem:$0x3FAC]  }
0x2d: {  	s3 =	simm.s32 $0x108;
	s8 =	sld [smem:$0x3FAD]  }
0x2e: {  	s3 =	simm.s32 @!p0 $0x1082;
	s9 =	sld [smem:$0x3FAE]  }
0x2f: {  	lr =	sadd.s32 s0, s3;
	s0 =	sld [smem:$0x3FA5]  }
0x30: {  	s3 =	sld [smem:$0x3FA8]  }
0x31: {  	[smem:$0x3FB1] =	sst s10  }
0x32: {  	s10 =	sld [smem:$0x3FAF];
	_ =	sdelay $0x3  }
0x33: {  	p0 =	seq.s32 s10, $0x1;
	s10 =	sld [smem:$0x3FB1];
	_ =	sdelay $0x3  }
0x34: {  	[smem:$0x3FB1] =	sst s10  }
0x35: {  	s10 =	sld [smem:$0x3FB0];
	_ =	sdelay $0x3  }
0x36: {  	p1 =	seq.s32 s10, $0x1;
	s10 =	sld [smem:$0x3FB1];
	_ =	sdelay $0x3  }
0x37: {  	[smem:$0x3FB1] =	sst s10  }
0x38: {  	s10 =	sld [smem:$0x3FB2]  }
0x39: {  	_ = 	snop;
	(pc) =	sbr.ind lr, $3  }
0x3a: {  	_ = 	snop  }
0x3b: {  	_ = 	snop  }
0x3c: {  	p2 =	seq.s32 s10, $0x1;
	s10 =	sld [smem:$0x3FB1]  }
0x3d: {  	_ =	shalt  }
0x3e: {  	_ =	shalt  }
0x3f: {  	_ =	shalt  }
0x40: {  	_ =	shalt  }
0x41: {  	_ =	shalt  }
0x42: {  	_ =	shalt  }
0x43: {  	_ =	shalt  }
0x44: {  	_ =	shalt  }
0x45: {  	_ =	shalt  }
0x46: {  	_ =	shalt  }
0x47: {  	_ =	shalt  }
0x48: {  	_ =	shalt  }
0x49: {  	_ =	shalt  }
0x4a: {  	_ =	shalt  }
0x4b: {  	_ =	shalt  }
0x4c: {  	_ =	shalt  }
0x4d: {  	_ =	shalt  }
0x4e: {  	_ =	shalt  }
0x4f: {  	_ =	shalt  }
0x50: {  	_ =	shalt  }
0x51: {  	_ =	shalt  }
0x52: {  	_ =	shalt  }
0x53: {  	_ =	shalt  }
0x54: {  	_ =	shalt  }
0x55: {  	_ =	shalt  }
0x56: {  	_ =	shalt  }
0x57: {  	_ =	shalt  }
0x58: {  	_ =	shalt  }
0x59: {  	_ =	shalt  }
0x5a: {  	_ =	shalt  }
0x5b: {  	_ =	shalt  }
0x5c: {  	_ =	shalt  }
0x5d: {  	_ =	shalt  }
0x5e: {  	_ =	shalt  }
0x5f: {  	_ =	shalt  }
0x60: {  	_ =	shalt  }
0x61: {  	_ =	shalt  }
0x62: {  	_ =	shalt  }
0x63: {  	_ =	shalt  }
0x64: {  	_ =	shalt  }
0x65: {  	_ =	shalt  }
0x66: {  	_ =	shalt  }
0x67: {  	_ =	shalt  }
0x68: {  	_ =	shalt  }
0x69: {  	_ =	shalt  }
0x6a: {  	_ =	shalt  }
0x6b: {  	_ =	shalt  }
0x6c: {  	_ =	shalt  }
0x6d: {  	_ =	shalt  }
0x6e: {  	_ =	shalt  }
0x6f: {  	_ =	shalt  }
0x70: {  	_ =	shalt  }
0x71: {  	_ =	shalt  }
0x72: {  	_ =	shalt  }
0x73: {  	_ =	shalt  }
0x74: {  	_ =	shalt  }
0x75: {  	_ =	shalt  }
0x76: {  	_ =	shalt  }
0x77: {  	_ =	shalt  }
0x78: {  	_ =	shalt  }
0x79: {  	_ =	shalt  }
0x7a: {  	_ =	shalt  }
0x7b: {  	_ =	shalt  }
0x7c: {  	_ =	shalt  }
0x7d: {  	_ =	shalt  }
0x7e: {  	_ =	shalt  }
0x7f: {  	_ =	shalt  }
0x80: {  	_ =	shalt  }
0x81: {  	_ =	shalt  }
0x82: {  	_ =	shalt  }
0x83: {  	_ =	shalt  }
0x84: {  	_ =	shalt  }
0x85: {  	_ =	shalt  }
0x86: {  	_ =	shalt  }
0x87: {  	_ =	shalt  }
.Lfunc_end0:
.L_simem_size_0:
called_computation_lowered:
.L_overlay_start_0:
0x88: {  	s2 =	sld [smem:$0x3FD9]  }
0x89: {  	s3 =	sld [smem:$0x3FFE];
	_ =	sdelay $0x1  }
0x8a: {  	s1 =	srdreg.scid  }
0x8b: {  	s0 =	sand.u32 $0x1, s1  }
0x8c: {  	s17 =	sshll.u32 s0, $0xA;
	s2 =	sadd.s32 s3, s2  }
0x8d: {  	s2 =	sadd.s32 s2, s17  }
0x8e: {  	[smem:$0x3FBD] =	sst s2  }
0x8f: {  	_ = 	snop  }
0x90: {  	s2 =	sld [smem:$0x3FC8];
	(tm) =	ssettm $0x1  }
0x91: {  	s18 =	sld [smem:$0x3FFB];
	_ =	sdelay $0x3  }
0x92: {  	_ =	strace s18  }
0x93: {  	s3 =	sld [smem:$0x3FFC];
	_ =	sdelay $0x3  }
0x94: {  	_ =	strace s3  }
0x95: {  	s3 =	sld [smem:$0x3FFD];
	_ =	sdelay $0x3  }
0x96: {  	_ =	strace s3  }
0x97: {  	_ =	strace $0x8FFFFFFF  }
0x98: {  	s19 =	sld [smem:$0x3FDB];
	_ =	sdelay $0x1  }
0x99: {  	s4 =	simm.s32 $_scs_section_size  }
0x9a: {  	s5 =	simm.s32 $_size__tile_overlayer_lowered;
	s6 =	simm.s32 $_tile_overlayer_lowered  }
0x9b: {  	s22 =	simm.s32 $0x1BFF;
	s21 =	sshll.u32 s6, $0x1;
	s3 =	sadd.s32 s4, s19  }
0x9c: {  	s7 =	simm.s32 $0x0;
	s20 =	sshll.u32 s5, $0x1;
	s5 =	sadd.s32 s21, s3  }
0x9d: {  	[timem:s7], [sflag:s22] =	dma.local [hbm:s5], s20  }
0x9e: {  	_ =	swait.ge [sflag:s22], s20  }
0x9f: {  	s4 =	ssub.s32 $0x0, s20;
	[sflag:s22] =	ssyncset.done $0x0  }
0xa0: {  	[sflag:s22] =	ssyncadd.s32 s4;
	_ =	sdelay $0x1  }
0xa1: {  	s23 =	simm.s32 $0x1B8B  }
0xa2: {  	_ =	swait.ge [sflag:s23], $0x1  }
0xa3: {  	[sflag:s23] =	ssyncset.done $0x0  }
0xa4: {  	s25 =	simm.s32 $0x1B8E;
	s24 =	sld [smem:$0x3FFE];
	[sflag:s23] =	ssyncadd.s32 $0xFFFFFFFF  }
0xa5: {  	s26 =	simm.s32 $execute0_lowered;
	[smem:$0x3FD2] =	sst s25  }
0xa6: {  	s5 =	sshll.u32 s26, $0x1;
	_ =	strace $0x80000046;
	[dreg:$0x1] =	wrdreg $0xFFFFFFFF  }
0xa7: {  	s28 =	simm.s32 $_size_execute0_lowered;
	s3 =	sadd.s32 s3, s5;
	[dreg:$0x0] =	wrdreg $0x0  }
0xa8: {  	s5 =	sshll.u32 s28, $0x1;
	[dreg:$0x2] =	wrdreg s3  }
0xa9: {  	[dreg:$0x3] =	wrdreg s5  }
0xaa: {  	[dreg:$0x4] =	wrdreg $0xC0  }
0xab: {  	_ =	task [dreg:s7], $0x5FFFF  }
0xac: {  	[dreg:$0x1] =	wrdreg $0xFFFFFFFF  }
0xad: {  	[dreg:$0x0] =	wrdreg $0x60  }
0xae: {  	[dreg:$0x2] =	wrdreg s24  }
0xaf: {  	[dreg:$0x3] =	wrdreg s2  }
0xb0: {  	[dreg:$0x4] =	wrdreg $0x0  }
0xb1: {  	[dreg:$0x5] =	wrdreg $0x9  }
0xb2: {  	_ =	task.clear_ibuf [dreg:s7], $0x6FFFF;
	_ =	strace $0x90000046  }
0xb3: {  	s29 =	simm.s32 $0x9;
	_ =	strace $0x80000048  }
0xb4: {  	_ =	swait.ge [sflag:s29], $0x1  }
0xb5: {  	[sflag:s29] =	ssyncadd.s32 $0xFFFFFFFF  }
0xb6: {  	_ =	strace $0x90000048  }
0xb7: {  	_ =	sfence  }
0xb8: {  	s30 =	sld [smem:$0x0];
	_ =	sdelay $0x2  }
0xb9: {  	s31 =	sshll.u32 s1, $0xD;
	s1 =	sshrl.u32 s1, $0x2  }
0xba: {  	s3 =	sand.u32 $0x4000, s31;
	s1 =	sadd.s32 s1, s30  }
0xbb: {  	s0 =	sor.u32 s3, s0;
	s1 =	sshll.u32 s1, $0x11  }
0xbc: {  	s0 =	sor.u32 s1, s0  }
0xbd: {  	s0 =	sadd.s32 $0x8F2B, s0  }
0xbe: {  	[sflag:s0] =	ssyncadd.remote.s32 $0x1  }
0xbf: {  	_ =	sfence.sel $0xFFFF  }
0xc0: {  	[dreg:$0x0] =	wrdreg $0xFFFFFFFF;
	(pc) =	sbr.abs _section_cstart, $3  }
0xc1: {  	[dreg:$0x1] =	wrdreg $0xFFFFFFFF  }
0xc2: {  	_ =	task.clear_ibuf [dreg:s7], $0x2FFFF;
	_ =	strace $0x9FFFFFFF  }
0xc3: {  	(tm) =	ssettm $0x7FFFFFFF  }
tec
execute0_lowered:
.L_overlay_start_1:
0x0: {  	(tag) =	ssettag $0x1  }
0x1: {  	s0 =	stileid.u32;
	s1 =	srdreg.scid  }
0x2: {  	s19 =	rddreg [dreg:$0x0];
	s24 =	sand.u32 $0x1, s1;
	s30 =	sshll.u32 s0, $0x1  }
0x3: {  	s4 =	rddreg [dreg:$0x1];
	s5 =	sor.u32 s24, s30  }
0x4: {  	s2 =	rddreg [dreg:$0x2];
	s3 =	simm.s32 $0x0;
	s5 =	smul.u32 $0x6400, s5  }
0x5: {  	s6 =	simm.s32 $0xFA00;
	s7 =	smul.u32 $0xFA00, s0;
	s1 =	rddreg [dreg:$0x3]  }
0x6: {  	[smem:$0x7FF] =	sst s3;
	s31 =	sshll.u32 s0, $0x6;
	s20 =	sshrl.u32 s5, $0x3  }
0x7: {  	_ =	strace $0x80000047;
	s5 =	simm.s32 $0x5;
	s4 =	sadd.s32 s4, s20  }
0x8: {  	[tilespmem:s6], [sflag:$0x5] =	stream.linear.gather [hbm4b:s4+s3], $0x6400, $0x38;
	[tilespmem:$0x1C200] =	vst v63  }
0x9: {  	s8 =	sshrl.u32 s7, $0x3;
	s9 =	sadd.s32 s7, s2;
	_ =	swait.ge [sflag:s5], $0x6400  }
0xa: {  	s8 =	sadd.s32 s8, s19;
	s9 =	sshrl.u32 s9, $0x3;
	[sflag:s5] =	ssyncset.done $0x0  }
0xb: {  	s7 =	sadd.s32 $0x1C00, s8;
	s8 =	sor.u32 $0x1C05, s31;
	[sflag:s5] =	ssyncadd.s32 $0xFFFF9C00  }
0xc: {  	[spmem:s9], [sflag:s8] =	dma.local [hbm:s7], $0x1F40  }
0xd: {  	_ =	swait.ge [sflag:s5], $0x1F40  }
0xe: {  	[sflag:s5] =	ssyncset.done $0x0  }
0xf: {  	[sflag:s5] =	ssyncadd.s32 $0xFFFFE0C0  }
0x10: {  	s10 =	simm.s32 $0x1900;
	s11 =	simm.s32 $0x15E00;
	[bflag:$0x0] =	sbarrier.arrive $0xFFFF  }
0x11: {  	[tilespmem:s11], [sflag:$0x1] =	stream.indirect.gather [spmem:s2], $0x1, s6, s10, $0xb8;
	[tilespmem:$0x1C200] =	vst v63  }
0x12: {  	s12 =	simm.s32 $0x11300;
	s13 =	simm.s32 $0x17700  }
0x13: {  	[tilespmem:s13], [sflag:$0x2] =	stream.indirect.gather [spmem:s2], $0x1, s12, s10, $0xb8;
	[tilespmem:$0x1C200] =	vst v63  }
0x14: {  	s14 =	simm.s32 $0x12C00;
	s15 =	simm.s32 $0x19000  }
0x15: {  	[tilespmem:s15], [sflag:$0x3] =	stream.indirect.gather [spmem:s2], $0x1, s14, s10, $0xb8;
	[tilespmem:$0x1C200] =	vst v63  }
0x16: {  	s16 =	simm.s32 $0x14500;
	s17 =	simm.s32 $0x1A900;
	s18 =	simm.s32 $0x1  }
0x17: {  	[tilespmem:s17], [sflag:$0x4] =	stream.indirect.gather [spmem:s2], $0x1, s16, s10, $0xb8;
	[tilespmem:$0x1C200] =	vst v63  }
0x18: {  	_ =	swait.ge [sflag:s18], $0x1900  }
0x19: {  	s25 =	sadd.s32 s20, s19;
	[sflag:s18] =	ssyncset.done $0x0  }
0x1a: {  	s19 =	sadd.s32 $0x21000, s25;
	[sflag:s18] =	ssyncadd.s32 $0xFFFFE700  }
0x1b: {  	[hbm4b:s19+s3] =	stream.linear.scatter [tilespmem:s11], [sflag:$0x5], $0x1900, $0x38;
	[tilespmem:$0x1C200] =	vst v63  }
0x1c: {  	_ =	swait.ge [sflag:s5], $0x1900  }
0x1d: {  	[sflag:s5] =	ssyncset.done $0x0  }
0x1e: {  	s20 =	simm.s32 $0x2;
	[sflag:s5] =	ssyncadd.s32 $0xFFFFE700  }
0x1f: {  	_ =	swait.ge [sflag:s20], $0x1900  }
0x20: {  	[sflag:s20] =	ssyncset.done $0x0  }
0x21: {  	s21 =	sadd.s32 $0x21320, s25;
	[sflag:s20] =	ssyncadd.s32 $0xFFFFE700  }
0x22: {  	[hbm4b:s21+s3] =	stream.linear.scatter [tilespmem:s13], [sflag:$0x5], $0x1900, $0x38;
	[tilespmem:$0x1C200] =	vst v63  }
0x23: {  	_ =	swait.ge [sflag:s5], $0x1900  }
0x24: {  	[sflag:s5] =	ssyncset.done $0x0  }
0x25: {  	s22 =	simm.s32 $0x3;
	[sflag:s5] =	ssyncadd.s32 $0xFFFFE700  }
0x26: {  	_ =	swait.ge [sflag:s22], $0x1900  }
0x27: {  	[sflag:s22] =	ssyncset.done $0x0  }
0x28: {  	s26 =	ssub.s32 $0x2, s24;
	s23 =	sadd.s32 $0x21640, s25;
	[sflag:s22] =	ssyncadd.s32 $0xFFFFE700  }
0x29: {  	[hbm4b:s23+s3] =	stream.linear.scatter [tilespmem:s15], [sflag:$0x5], $0x1900, $0x38;
	[tilespmem:$0x1C200] =	vst v63  }
0x2a: {  	s28 =	sshrl.u32 s26, $0x1;
	_ =	swait.ge [sflag:s5], $0x1900  }
0x2b: {  	s26 =	ssub.s32 s26, s28;
	[sflag:s5] =	ssyncset.done $0x0  }
0x2c: {  	s24 =	simm.s32 $0x4;
	s26 =	smax.u32 s26, $0x1;
	[sflag:s5] =	ssyncadd.s32 $0xFFFFE700  }
0x2d: {  	p0 =	sne.s32 s26, $0x1;
	_ =	swait.ge [sflag:s24], $0x1900  }
.Ltmp0:
0x2e: {  	[sflag:s24] =	ssyncset.done $0x0;
	(pc) =	sbr.rel @!p0 .LBB2_2-.Ltmp0, $4  }
0x2f: {  	s25 =	sadd.s32 $0x21960, s25;
	[sflag:s24] =	ssyncadd.s32 $0xFFFFE700  }
0x30: {  	[hbm4b:s25+s3] =	stream.linear.scatter [tilespmem:s17], [sflag:$0x5], $0x1900, $0x38;
	[tilespmem:$0x1C200] =	vst v63  }
0x31: {  	_ =	swait.ge [sflag:s5], $0x1900  }
0x32: {  	s26 =	sadd.s32 $0xFFFFFFFF, s26;
	[sflag:s5] =	ssyncset.done $0x0  }
.LBB2_1:
0x33: {  	p0 =	sne.s32 s26, $0x1;
	s26 =	sadd.s32 $0xFFFFFFFF, s26;
	[sflag:s5] =	ssyncadd.s32 $0xFFFFE700  }
0x34: {  	[tilespmem:s6], [sflag:$0x5] =	stream.linear.gather [hbm4b:s4+s3], $0x6400, $0x38;
	[tilespmem:$0x1C200] =	vst v63  }
0x35: {  	_ =	swait.ge [sflag:s5], $0x6400  }
0x36: {  	[sflag:s5] =	ssyncset.done $0x0  }
0x37: {  	[sflag:s5] =	ssyncadd.s32 $0xFFFF9C00  }
0x38: {  	[spmem:s9], [sflag:s8] =	dma.local [hbm:s7], $0x1F40  }
0x39: {  	_ =	swait.ge [sflag:s5], $0x1F40  }
0x3a: {  	[sflag:s5] =	ssyncset.done $0x0  }
0x3b: {  	[sflag:s5] =	ssyncadd.s32 $0xFFFFE0C0  }
0x3c: {  	[bflag:$0x0] =	sbarrier.arrive $0xFFFF  }
0x3d: {  	[tilespmem:s11], [sflag:$0x1] =	stream.indirect.gather [spmem:s2], $0x1, s6, s10, $0xb8;
	[tilespmem:$0x1C200] =	vst v63  }
0x3e: {  	_ = 	snop  }
0x3f: {  	[tilespmem:s13], [sflag:$0x2] =	stream.indirect.gather [spmem:s2], $0x1, s12, s10, $0xb8;
	[tilespmem:$0x1C200] =	vst v63  }
0x40: {  	_ = 	snop  }
0x41: {  	[tilespmem:s15], [sflag:$0x3] =	stream.indirect.gather [spmem:s2], $0x1, s14, s10, $0xb8;
	[tilespmem:$0x1C200] =	vst v63  }
0x42: {  	_ = 	snop  }
0x43: {  	[tilespmem:s17], [sflag:$0x4] =	stream.indirect.gather [spmem:s2], $0x1, s16, s10, $0xb8;
	[tilespmem:$0x1C200] =	vst v63  }
0x44: {  	_ =	swait.ge [sflag:s18], $0x1900  }
0x45: {  	[sflag:s18] =	ssyncset.done $0x0  }
0x46: {  	[sflag:s18] =	ssyncadd.s32 $0xFFFFE700  }
0x47: {  	[hbm4b:s19+s3] =	stream.linear.scatter [tilespmem:s11], [sflag:$0x5], $0x1900, $0x38;
	[tilespmem:$0x1C200] =	vst v63  }
0x48: {  	_ =	swait.ge [sflag:s5], $0x1900  }
0x49: {  	[sflag:s5] =	ssyncset.done $0x0  }
0x4a: {  	[sflag:s5] =	ssyncadd.s32 $0xFFFFE700  }
0x4b: {  	_ =	swait.ge [sflag:s20], $0x1900  }
0x4c: {  	[sflag:s20] =	ssyncset.done $0x0  }
0x4d: {  	[sflag:s20] =	ssyncadd.s32 $0xFFFFE700  }
0x4e: {  	[hbm4b:s21+s3] =	stream.linear.scatter [tilespmem:s13], [sflag:$0x5], $0x1900, $0x38;
	[tilespmem:$0x1C200] =	vst v63  }
0x4f: {  	_ =	swait.ge [sflag:s5], $0x1900  }
0x50: {  	[sflag:s5] =	ssyncset.done $0x0  }
0x51: {  	[sflag:s5] =	ssyncadd.s32 $0xFFFFE700  }
0x52: {  	_ =	swait.ge [sflag:s22], $0x1900  }
0x53: {  	[sflag:s22] =	ssyncset.done $0x0  }
0x54: {  	[sflag:s22] =	ssyncadd.s32 $0xFFFFE700  }
0x55: {  	[hbm4b:s23+s3] =	stream.linear.scatter [tilespmem:s15], [sflag:$0x5], $0x1900, $0x38;
	[tilespmem:$0x1C200] =	vst v63  }
0x56: {  	_ =	swait.ge [sflag:s5], $0x1900  }
0x57: {  	[sflag:s5] =	ssyncset.done $0x0  }
0x58: {  	[sflag:s5] =	ssyncadd.s32 $0xFFFFE700  }
0x59: {  	_ =	swait.ge [sflag:s24], $0x1900  }
.Ltmp1:
0x5a: {  	[sflag:s24] =	ssyncset.done $0x0;
	(pc) =	sbr.rel @p0 .LBB2_1-.Ltmp1, $4  }
0x5b: {  	[sflag:s24] =	ssyncadd.s32 $0xFFFFE700  }
0x5c: {  	[hbm4b:s25+s3] =	stream.linear.scatter [tilespmem:s17], [sflag:$0x5], $0x1900, $0x38;
	[tilespmem:$0x1C200] =	vst v63  }
0x5d: {  	_ =	swait.ge [sflag:s5], $0x1900  }
0x5e: {  	[sflag:s5] =	ssyncset.done $0x0  }
.LBB2_2:
0x5f: {  	[sflag:s5] =	ssyncadd.s32 $0xFFFFE700  }
0x60: {  	_ =	sfence.sel $0x180000  }
0x61: {  	[bflag:$0x0] =	sbarrier.arrive $0xFFFF  }
0x62: {  	p0 =	sne.s32 s0, $0x0;
	_ =	strace $0x90000047  }
0x63: {  	s0 =	sadd.s32 @!p0 $0x100000, s1;
	[bflag:$0x2] =	sbarrier.arrive $0xFFFF  }
0x64: {  	[sflag:s0] =	ssyncadd.tile.s32 @!p0 $0x1;
	_ =	shalt  }
.Lfunc_end2:
_tile_overlayer_lowered:
.L_overlay_start_2:
0x65: {  	(tag) =	ssettag $0x2  }
0x66: {  	s0 =	rddreg [dreg:$0x0];
	s2 =	stileid.u32  }
0x67: {  	s1 =	rddreg [dreg:$0x1];
	p0 =	sne.s32 s2, $0x0  }
0x68: {  	s3 =	rddreg [dreg:$0x2];
	[bflag:$0x3] =	sbarrier.arrive $0xFFFF;
	s2 =	simm.s32 @!p0 $0x1C05  }
0x69: {  	[timem:s3], [sflag:s2] =	dma.local @!p0 [hbm:s0], s1  }
0x6a: {  	s0 =	simm.s32 @!p0 $0x5  }
0x6b: {  	_ =	swait.ge @!p0 [sflag:s0], s1  }
0x6c: {  	s1 =	ssub.s32 @!p0 $0x0, s1;
	[sflag:s0] =	ssyncset.done @!p0 $0x0  }
0x6d: {  	[sflag:s0] =	ssyncadd.s32 @!p0 s1  }
0x6e: {  	[bflag:$0x3] =	sbarrier.arrive $0xFFFF  }
0x6f: {  	_ =	shalt  }

</sc_bundles>
